<compile_context>
chip_gen: v7x
topology: tpu7x:2x2x1
jax: 0.10.2.dev20260603
libtpu: 0.0.44.dev20260713+nightly
codegen_flags: <defaults>
</compile_context>

<pallas_src>
import jax
import jax.numpy as jnp
from jax.experimental import pallas as pl


_ROWS_PER_BLOCK = 512



def _vq_gather_kernel(idx_ref, emb_ref, zq_ref):
    idx = idx_ref[...]
    emb = emb_ref[...]
    k = emb.shape[0]
    iota = jax.lax.broadcasted_iota(jnp.int32, (idx.shape[0], k), 1)
    onehot = (iota == idx).astype(jnp.float32)
    zq_ref[...] = jax.lax.dot_general(
        onehot, emb, (((1,), (0,)), ((), ())),
        preferred_element_type=jnp.float32,
        precision=jax.lax.Precision.HIGHEST)


def _vq_gather(idx, emb):
    n = idx.shape[0]
    k, d = emb.shape
    r = _ROWS_PER_BLOCK
    assert n % r == 0
    return pl.pallas_call(
        _vq_gather_kernel,
        grid=(n // r,),
        in_specs=[
            pl.BlockSpec((r, 1), lambda i: (i, 0)),
            pl.BlockSpec((k, d), lambda i: (0, 0)),
        ],
        out_specs=pl.BlockSpec((r, d), lambda i: (i, 0)),
        out_shape=jax.ShapeDtypeStruct((n, d), jnp.float32),
    )(idx, emb)



def _bias_tanh_kernel(y_ref, b_ref, o_ref):
    o_ref[...] = jnp.tanh(y_ref[...] + b_ref[...])


def _bias_tanh(y, b):
    bb, c, hh, ww = y.shape
    y2 = y.reshape(bb * c, hh * ww)
    brow = jnp.repeat(b, bb * c // b.shape[0]).reshape(bb * c, 1) if False else \
        jnp.tile(b[None, :], (bb, 1)).reshape(bb * c, 1)
    rows = bb * c
    rblk = 8
    assert rows % rblk == 0
    out = pl.pallas_call(
        _bias_tanh_kernel,
        grid=(rows // rblk,),
        in_specs=[
            pl.BlockSpec((rblk, hh * ww), lambda i: (i, 0)),
            pl.BlockSpec((rblk, 1), lambda i: (i, 0)),
        ],
        out_specs=pl.BlockSpec((rblk, hh * ww), lambda i: (i, 0)),
        out_shape=jax.ShapeDtypeStruct((rows, hh * ww), jnp.float32),
    )(y2, brow)
    return out.reshape(bb, c, hh, ww)



def _bn_relu_kernel(x_ref, g_ref, b_ref, o_ref):
    xb = x_ref[...]
    n = xb.shape[0] * xb.shape[2]
    s1 = jnp.sum(xb, axis=2)
    m = (jnp.sum(s1, axis=0) / n)[None, :, None]
    d = xb - m
    s2 = jnp.sum(d * d, axis=2)
    v = (jnp.sum(s2, axis=0) / n)[None, :, None]
    g = g_ref[...]
    b = b_ref[...]
    y = d / jnp.sqrt(v + 1e-5) * g + b
    o_ref[...] = jnp.maximum(y, 0.0)


def _bn_relu(x, g, b):
    bb, c, hh, ww = x.shape
    cblk = 8
    assert c % cblk == 0
    x3 = x.reshape(bb, c, hh * ww)
    out = pl.pallas_call(
        _bn_relu_kernel,
        grid=(c // cblk,),
        in_specs=[
            pl.BlockSpec((bb, cblk, hh * ww), lambda i: (0, i, 0)),
            pl.BlockSpec((1, cblk, 1), lambda i: (0, i, 0)),
            pl.BlockSpec((1, cblk, 1), lambda i: (0, i, 0)),
        ],
        out_specs=pl.BlockSpec((bb, cblk, hh * ww), lambda i: (0, i, 0)),
        out_shape=jax.ShapeDtypeStruct((bb, c, hh * ww), jnp.float32),
    )(x3, g[None, :, None], b[None, :, None])
    return out.reshape(bb, c, hh, ww)



def _conv(x, w, b, stride, pad):
    y = jax.lax.conv_general_dilated(
        x, w, (stride, stride), [(pad, pad), (pad, pad)],
        dimension_numbers=('NCHW', 'OIHW', 'NCHW'))
    return y + b[None, :, None, None]


def _conv_t(x, w, b):
    wt = jnp.flip(jnp.transpose(w, (1, 0, 2, 3)), axis=(2, 3))
    bb, c, hh, ww = x.shape
    xd = jnp.zeros((bb, c, 2 * hh - 1, 2 * ww - 1), x.dtype).at[:, :, ::2, ::2].set(x)
    y = jax.lax.conv_general_dilated(
        xd, wt, (1, 1), [(2, 2), (2, 2)],
        dimension_numbers=('NCHW', 'OIHW', 'NCHW'))
    return y + b[None, :, None, None]


def _conv_t_raw(x, w):
    wt = jnp.flip(jnp.transpose(w, (1, 0, 2, 3)), axis=(2, 3))
    bb, c, hh, ww = x.shape
    xd = jnp.zeros((bb, c, 2 * hh - 1, 2 * ww - 1), x.dtype).at[:, :, ::2, ::2].set(x)
    return jax.lax.conv_general_dilated(
        xd, wt, (1, 1), [(2, 2), (2, 2)],
        dimension_numbers=('NCHW', 'OIHW', 'NCHW'))


def _bn(x, g, b):
    m = jnp.mean(x, axis=(0, 2, 3), keepdims=True)
    v = jnp.mean((x - m) ** 2, axis=(0, 2, 3), keepdims=True)
    return (x - m) / jnp.sqrt(v + 1e-5) * g[None, :, None, None] + b[None, :, None, None]


def _resblock(x, p):
    h = jax.nn.relu(x)
    h = _conv(h, p['w1'], p['b1'], 1, 1)
    h = _bn(h, p['g1'], p['gb1'])
    h = jax.nn.relu(h)
    h = _conv(h, p['w2'], p['b2'], 1, 0)
    h = _bn(h, p['g2'], p['gb2'])
    return x + h



def kernel(x, params):
    p = params
    z = _conv(x, p['ew1'], p['eb1'], 2, 1)
    z = _bn(z, p['eg1'], p['egb1'])
    z = jax.nn.relu(z)
    z = _conv(z, p['ew2'], p['eb2'], 2, 1)
    z = _resblock(z, p['erb1'])
    z_e_x = _resblock(z, p['erb2'])
    b, d, h, w = z_e_x.shape
    ze = jnp.transpose(z_e_x, (0, 2, 3, 1)).reshape(-1, d)
    emb = p['emb']
    dists = (ze ** 2).sum(1, keepdims=True) + (emb ** 2).sum(1)[None, :] - 2.0 * (ze @ emb.T)
    latents = jnp.argmin(dists, axis=-1).reshape(b, h, w)
    z_q_x = jnp.transpose(jnp.take(emb, latents, axis=0), (0, 3, 1, 2))
    h_ = _resblock(z_q_x, p['drb1'])
    h_ = _resblock(h_, p['drb2'])
    h_ = jax.nn.relu(h_)
    h_ = _conv_t(h_, p['dw1'], p['db1'])
    h_ = _bn_relu(h_, p['dg1'], p['dgb1'])
    y = _conv_t_raw(h_, p['dw2'])
    x_tilde = _bias_tanh(y, p['db2'])
    return x_tilde, z_e_x, z_q_x

# --- scband reference (transcript-rebuilt; emitter-appended) ---
"""Pipeline reference for scband-vector-quantized-vae-6871947674321 (READ-ONLY COPY).

The authoritative reference and input builder live on the scoring server;
editing this copy changes nothing except your own understanding.
"""

import jax, jax.numpy as jnp
import numpy as np


def _conv(x, w, b, stride, pad):
    y = jax.lax.conv_general_dilated(x, w, (stride, stride), [(pad, pad), (pad, pad)], dimension_numbers=('NCHW', 'OIHW', 'NCHW'))
    return y + b[None, :, None, None]


def _conv_t(x, w, b):
    # torch ConvTranspose2d(k=4, stride=2, padding=1): conv with lhs_dilation=2, pad=k-1-p=2, flipped kernel, swapped I/O
    wt = jnp.flip(jnp.transpose(w, (1, 0, 2, 3)), axis=(2, 3))
    B, C, H, W = x.shape
    xd = jnp.zeros((B, C, 2 * H - 1, 2 * W - 1), x.dtype).at[:, :, ::2, ::2].set(x)
    y = jax.lax.conv_general_dilated(xd, wt, (1, 1), [(2, 2), (2, 2)], dimension_numbers=('NCHW', 'OIHW', 'NCHW'))
    return y + b[None, :, None, None]


def _bn(x, g, b):
    # BatchNorm2d in train mode: batch statistics (biased variance)
    m = jnp.mean(x, axis=(0, 2, 3), keepdims=True)
    v = jnp.mean((x - m) ** 2, axis=(0, 2, 3), keepdims=True)
    return (x - m) / jnp.sqrt(v + 1e-5) * g[None, :, None, None] + b[None, :, None, None]


def _resblock(x, p):
    h = jax.nn.relu(x)
    h = _conv(h, p['w1'], p['b1'], 1, 1)
    h = _bn(h, p['g1'], p['gb1'])
    h = jax.nn.relu(h)
    h = _conv(h, p['w2'], p['b2'], 1, 0)
    h = _bn(h, p['g2'], p['gb2'])
    return x + h


def _rb_params(key, dim):
    k1, k2 = jax.random.split(key)
    return {'w1': jax.random.normal(k1, (dim, dim, 3, 3), jnp.float32) * 0.05,
            'b1': jnp.zeros((dim,), jnp.float32),
            'g1': jnp.ones((dim,), jnp.float32),
            'gb1': jnp.zeros((dim,), jnp.float32),
            'w2': jax.random.normal(k2, (dim, dim, 1, 1), jnp.float32) * 0.05,
            'b2': jnp.zeros((dim,), jnp.float32),
            'g2': jnp.ones((dim,), jnp.float32),
            'gb2': jnp.zeros((dim,), jnp.float32)}


def setup_inputs(seed=0):
    key = jax.random.key(seed)
    ks = jax.random.split(key, 12)
    input_dim, dim, K = 3, 64, 1024
    x = jax.random.normal(ks[0], (8, input_dim, 224, 224), jnp.float32)
    params = {
        'ew1': jax.random.normal(ks[1], (dim, input_dim, 4, 4), jnp.float32) * 0.05,
        'eb1': jnp.zeros((dim,), jnp.float32),
        'eg1': jnp.ones((dim,), jnp.float32),
        'egb1': jnp.zeros((dim,), jnp.float32),
        'ew2': jax.random.normal(ks[2], (dim, dim, 4, 4), jnp.float32) * 0.05,
        'eb2': jnp.zeros((dim,), jnp.float32),
        'erb1': _rb_params(ks[3], dim),
        'erb2': _rb_params(ks[4], dim),
        'drb1': _rb_params(ks[5], dim),
        'drb2': _rb_params(ks[6], dim),
        'dw1': jax.random.normal(ks[7], (dim, dim, 4, 4), jnp.float32) * 0.05,
        'db1': jnp.zeros((dim,), jnp.float32),
        'dg1': jnp.ones((dim,), jnp.float32),
        'dgb1': jnp.zeros((dim,), jnp.float32),
        'dw2': jax.random.normal(ks[8], (dim, input_dim, 4, 4), jnp.float32) * 0.05,
        'db2': jnp.zeros((input_dim,), jnp.float32),
        'emb': jax.random.uniform(ks[9], (K, dim), jnp.float32, -1.0 / K, 1.0 / K),
    }
    return {'x': x, 'params': params}


def _forward(x, p):
    # encoder
    z = _conv(x, p['ew1'], p['eb1'], 2, 1)
    z = _bn(z, p['eg1'], p['egb1'])
    z = jax.nn.relu(z)
    z = _conv(z, p['ew2'], p['eb2'], 2, 1)
    z = _resblock(z, p['erb1'])
    z_e_x = _resblock(z, p['erb2'])
    # VQ codebook: nearest neighbor via expanded squared distance
    B, D, H, W = z_e_x.shape
    ze = jnp.transpose(z_e_x, (0, 2, 3, 1)).reshape(-1, D)
    emb = p['emb']
    dists = (ze ** 2).sum(1, keepdims=True) + (emb ** 2).sum(1)[None, :] - 2.0 * (ze @ emb.T)
    latents = jnp.argmin(dists, axis=-1).reshape(B, H, W)
    # decode: embedding gather
    z_q_x = jnp.transpose(jnp.take(emb, latents, axis=0), (0, 3, 1, 2))
    h = _resblock(z_q_x, p['drb1'])
    h = _resblock(h, p['drb2'])
    h = jax.nn.relu(h)
    h = _conv_t(h, p['dw1'], p['db1'])
    h = _bn(h, p['dg1'], p['dgb1'])
    h = jax.nn.relu(h)
    h = _conv_t(h, p['dw2'], p['db2'])
    x_tilde = jnp.tanh(h)
    return x_tilde, z_e_x, z_q_x


def reference(x, params):
    return _forward(x, params)

if __name__ == "__main__":
    import jax
    _d = setup_inputs()
    print(jax.jit(kernel)(*tuple(_d.values())))

</pallas_src>

<mosaic_0001>
module attributes {stable_mosaic.version = 14 : i64} {
  func.func @_bn_relu_kernel(%arg0: i32, %arg1: memref<8x8x12544xf32, #tpu.memory_space<vmem>>, %arg2: memref<1x8x1xf32, #tpu.memory_space<vmem>>, %arg3: memref<1x8x1xf32, #tpu.memory_space<vmem>>, %arg4: memref<8x8x12544xf32, #tpu.memory_space<vmem>>) attributes {dimension_semantics = [#tpu.dimension_semantics<arbitrary>], iteration_bounds = array<i64: 8>, scalar_prefetch = 0 : i64, scratch_operands = 0 : i64, tpu.core_type = #tpu.core_type<tc>, window_params = [{transform_indices = @transform_0, window_bounds = array<i64: 8, 8, 12544>}, {transform_indices = @transform_1, window_bounds = array<i64: 1, 8, 1>}, {transform_indices = @transform_2, window_bounds = array<i64: 1, 8, 1>}, {transform_indices = @transform_3, window_bounds = array<i64: 8, 8, 12544>}]} {
    %get3A = arith.constant 0 : index
    %get3A_0 = arith.constant 0 : index
    %get3A_1 = arith.constant 0 : index
    %get3A_2 = vector.load %arg1[%get3A, %get3A_0, %get3A_1] : memref<8x8x12544xf32, #tpu.memory_space<vmem>>, vector<8x8x12544xf32>
    %reduce_sum3A = arith.constant dense<0.000000e+00> : vector<8x8xf32>
    %reduce_sum3A_3 = vector.multi_reduction <add>, %get3A_2, %reduce_sum3A [2] : vector<8x8x12544xf32> to vector<8x8xf32>
    %reduce_sum3A_4 = arith.constant dense<0.000000e+00> : vector<8xf32>
    %reduce_sum3A_5 = vector.multi_reduction <add>, %reduce_sum3A_3, %reduce_sum3A_4 [0] : vector<8x8xf32> to vector<8xf32>
    %div3A = arith.constant 1.003520e+05 : f32
    %div3A_6 = vector.broadcast %div3A : f32 to vector<8xf32>
    %div3A_7 = arith.divf %reduce_sum3A_5, %div3A_6 : vector<8xf32>
    %broadcast_in_dim3A = vector.shape_cast %div3A_7 : vector<8xf32> to vector<1x8x1xf32>
    %sub3A = vector.broadcast %broadcast_in_dim3A : vector<1x8x1xf32> to vector<8x8x12544xf32>
    %sub3A_8 = arith.subf %get3A_2, %sub3A : vector<8x8x12544xf32>
    %mul3A = arith.mulf %sub3A_8, %sub3A_8 : vector<8x8x12544xf32>
    %reduce_sum3A_9 = arith.constant dense<0.000000e+00> : vector<8x8xf32>
    %reduce_sum3A_10 = vector.multi_reduction <add>, %mul3A, %reduce_sum3A_9 [2] : vector<8x8x12544xf32> to vector<8x8xf32>
    %reduce_sum3A_11 = arith.constant dense<0.000000e+00> : vector<8xf32>
    %reduce_sum3A_12 = vector.multi_reduction <add>, %reduce_sum3A_10, %reduce_sum3A_11 [0] : vector<8x8xf32> to vector<8xf32>
    %div3A_13 = arith.constant 1.003520e+05 : f32
    %div3A_14 = vector.broadcast %div3A_13 : f32 to vector<8xf32>
    %div3A_15 = arith.divf %reduce_sum3A_12, %div3A_14 : vector<8xf32>
    %broadcast_in_dim3A_16 = vector.shape_cast %div3A_15 : vector<8xf32> to vector<1x8x1xf32>
    %get3A_17 = arith.constant 0 : index
    %get3A_18 = arith.constant 0 : index
    %get3A_19 = arith.constant 0 : index
    %get3A_20 = vector.load %arg2[%get3A_17, %get3A_18, %get3A_19] : memref<1x8x1xf32, #tpu.memory_space<vmem>>, vector<1x8x1xf32>
    %get3A_21 = arith.constant 0 : index
    %get3A_22 = arith.constant 0 : index
    %get3A_23 = arith.constant 0 : index
    %get3A_24 = vector.load %arg3[%get3A_21, %get3A_22, %get3A_23] : memref<1x8x1xf32, #tpu.memory_space<vmem>>, vector<1x8x1xf32>
    %add3A = arith.constant 9.99999974E-6 : f32
    %add3A_25 = vector.broadcast %add3A : f32 to vector<1x8x1xf32>
    %add3A_26 = arith.addf %broadcast_in_dim3A_16, %add3A_25 : vector<1x8x1xf32>
    %sqrt3A = math.sqrt %add3A_26 : vector<1x8x1xf32>
    %div3A_27 = vector.broadcast %sqrt3A : vector<1x8x1xf32> to vector<8x8x12544xf32>
    %div3A_28 = arith.divf %sub3A_8, %div3A_27 : vector<8x8x12544xf32>
    %mul3A_29 = vector.broadcast %get3A_20 : vector<1x8x1xf32> to vector<8x8x12544xf32>
    %mul3A_30 = arith.mulf %div3A_28, %mul3A_29 : vector<8x8x12544xf32>
    %add3A_31 = vector.broadcast %get3A_24 : vector<1x8x1xf32> to vector<8x8x12544xf32>
    %add3A_32 = arith.addf %mul3A_30, %add3A_31 : vector<8x8x12544xf32>
    %max3A = arith.constant 0.000000e+00 : f32
    %max3A_33 = vector.broadcast %max3A : f32 to vector<8x8x12544xf32>
    %max3A_34 = arith.maximumf %add3A_32, %max3A_33 : vector<8x8x12544xf32>
    %swap3A = arith.constant 0 : index
    %swap3A_35 = arith.constant 0 : index
    %swap3A_36 = arith.constant 0 : index
    %swap3A_37 = vector.load %arg4[%swap3A, %swap3A_35, %swap3A_36] : memref<8x8x12544xf32, #tpu.memory_space<vmem>>, vector<8x8x12544xf32>
    tpu.vector_store %arg4[%swap3A, %swap3A_35, %swap3A_36], %max3A_34 {strides = array<i32>} : memref<8x8x12544xf32, #tpu.memory_space<vmem>>, vector<8x8x12544xf32>,
    return
  }
  func.func @transform_0(%arg0: i32) -> (i32, i32, i32) {
    %c0_i32 = arith.constant 0 : i32
    %c0_i32_0 = arith.constant 0 : i32
    %c0_i32_1 = arith.constant 0 : i32
    return %c0_i32, %arg0, %c0_i32_0 : i32, i32, i32
  }
  func.func @transform_1(%arg0: i32) -> (i32, i32, i32) {
    %c0_i32 = arith.constant 0 : i32
    %c0_i32_0 = arith.constant 0 : i32
    %c0_i32_1 = arith.constant 0 : i32
    return %c0_i32, %arg0, %c0_i32_0 : i32, i32, i32
  }
  func.func @transform_2(%arg0: i32) -> (i32, i32, i32) {
    %c0_i32 = arith.constant 0 : i32
    %c0_i32_0 = arith.constant 0 : i32
    %c0_i32_1 = arith.constant 0 : i32
    return %c0_i32, %arg0, %c0_i32_0 : i32, i32, i32
  }
  func.func @transform_3(%arg0: i32) -> (i32, i32, i32) {
    %c0_i32 = arith.constant 0 : i32
    %c0_i32_0 = arith.constant 0 : i32
    %c0_i32_1 = arith.constant 0 : i32
    return %c0_i32, %arg0, %c0_i32_0 : i32, i32, i32
  }
}

module attributes {stable_mosaic.version = 14 : i64} {
  func.func @_bias_tanh_kernel(%arg0: i32, %arg1: memref<8x50176xf32, #tpu.memory_space<vmem>>, %arg2: memref<8x1xf32, #tpu.memory_space<vmem>>, %arg3: memref<8x50176xf32, #tpu.memory_space<vmem>>) attributes {dimension_semantics = [#tpu.dimension_semantics<arbitrary>], iteration_bounds = array<i64: 3>, scalar_prefetch = 0 : i64, scratch_operands = 0 : i64, tpu.core_type = #tpu.core_type<tc>, window_params = [{transform_indices = @transform_0, window_bounds = array<i64: 8, 50176>}, {transform_indices = @transform_1, window_bounds = array<i64: 8, 1>}, {transform_indices = @transform_2, window_bounds = array<i64: 8, 50176>}]} {
    %get3A = arith.constant 0 : index
    %get3A_0 = arith.constant 0 : index
    %get3A_1 = vector.load %arg1[%get3A, %get3A_0] : memref<8x50176xf32, #tpu.memory_space<vmem>>, vector<8x50176xf32>
    %get3A_2 = arith.constant 0 : index
    %get3A_3 = arith.constant 0 : index
    %get3A_4 = vector.load %arg2[%get3A_2, %get3A_3] : memref<8x1xf32, #tpu.memory_space<vmem>>, vector<8x1xf32>
    %add3A = vector.broadcast %get3A_4 : vector<8x1xf32> to vector<8x50176xf32>
    %add3A_5 = arith.addf %get3A_1, %add3A : vector<8x50176xf32>
    %tanh3A = math.tanh %add3A_5 : vector<8x50176xf32>
    %swap3A = arith.constant 0 : index
    %swap3A_6 = arith.constant 0 : index
    %swap3A_7 = vector.load %arg3[%swap3A, %swap3A_6] : memref<8x50176xf32, #tpu.memory_space<vmem>>, vector<8x50176xf32>
    tpu.vector_store %arg3[%swap3A, %swap3A_6], %tanh3A {strides = array<i32>} : memref<8x50176xf32, #tpu.memory_space<vmem>>, vector<8x50176xf32>,
    return
  }
  func.func @transform_0(%arg0: i32) -> (i32, i32) {
    %c0_i32 = arith.constant 0 : i32
    %c0_i32_0 = arith.constant 0 : i32
    return %arg0, %c0_i32 : i32, i32
  }
  func.func @transform_1(%arg0: i32) -> (i32, i32) {
    %c0_i32 = arith.constant 0 : i32
    %c0_i32_0 = arith.constant 0 : i32
    return %arg0, %c0_i32 : i32, i32
  }
  func.func @transform_2(%arg0: i32) -> (i32, i32) {
    %c0_i32 = arith.constant 0 : i32
    %c0_i32_0 = arith.constant 0 : i32
    return %arg0, %c0_i32 : i32, i32
  }
}

</mosaic_0001>

<sc_bundles>
// kernel: scatter_offload_async_start.1
scs
__scs_entry_jumppad:
0x0: {  	(pc) =	sbr.rel $0x88, $3  }
0x1: {  	(tag) =	ssettag $0x0;
	lr =	simm.s32 $0x1  }
0x2: {  	[smem:$0x3F73] =	sst lr;
	_ =	strace $0xD0000000  }
0x3: {  	_ = 	snop  }
0x4: {  	_ = 	snop  }
0x5: {  	_ = 	snop  }
0x6: {  	_ = 	snop  }
0x7: {  	_ = 	snop  }
__scs_overlays_trampoline_lowered:
0x8: {  	[smem:$0x3F82] =	sst s0  }
0x9: {  	[smem:$0x3F83] =	sst s1  }
0xa: {  	[smem:$0x3F84] =	sst s2  }
0xb: {  	[smem:$0x3F85] =	sst s3  }
0xc: {  	[smem:$0x3F86] =	sst s4  }
0xd: {  	[smem:$0x3F87] =	sst s5  }
0xe: {  	[smem:$0x3F88] =	sst s6  }
0xf: {  	[smem:$0x3F89] =	sst s7  }
0x10: {  	[smem:$0x3F8A] =	sst s8  }
0x11: {  	[smem:$0x3F8B] =	sst s9;
	s0 =	simm.s32 @!p0 $0x0  }
0x12: {  	s1 =	sld [smem:$0x3F71];
	s0 =	simm.s32 @p0 $0x1  }
0x13: {  	[smem:$0x3F8C] =	sst s0;
	s0 =	simm.s32 @!p1 $0x0  }
0x14: {  	s2 =	sld [smem:$0x3F70];
	s0 =	simm.s32 @p1 $0x1  }
0x15: {  	[smem:$0x3F8D] =	sst s0;
	s0 =	simm.s32 @!p2 $0x0  }
0x16: {  	s3 =	sld [smem:$0x3FDB];
	s0 =	simm.s32 @p2 $0x1  }
0x17: {  	s4 =	simm.s32 $0x1BF5;
	[smem:$0x3F8F] =	sst s0  }
0x18: {  	s0 =	sld [smem:$0x3F72];
	_ =	swait.ge [sflag:s4], $0x0  }
0x19: {  	s7 =	sld [smem:$0x3F73]  }
0x1a: {  	s8 =	sadd.s32 $0xFFFFE003, lr  }
0x1b: {  	s9 =	sadd.s32 $0xFFFFFEF7, lr;
	s5 =	simm.s32 $0xFFFFFFFF;
	p2 =	slt.u32 s8, $0xFFFFF086  }
0x1c: {  	p1 =	slt.u32 s9, $0xF7A;
	s5 =	simm.s32 @!p2 $0x0  }
0x1d: {  	s5 =	simm.s32 @p1 $0x1;
	p0 =	seq.s32 s7, s2  }
0x1e: {  	s7 =	smul.u32 @!p0 $0xF7A, s2;
	p2 =	seq.s32 @!p0 s5, $0x0  }
0x1f: {  	s9 =	smul.u32 $0xF7A, s1;
	s8 =	simm.s32 @!p0 $0x1BF5;
	p2 =	por !p2, p0  }
0x20: {  	[sflag:s8] =	ssyncset.s32 @!p0 $0xFFFFF086;
	s6 =	sadd.s32 @!p0 s3, s7;
	s7 =	simm.s32 @!p0 $0x108  }
0x21: {  	s3 =	sadd.s32 s3, s9;
	s6 =	sadd.s32 @!p0 $0x88, s6;
	s7 =	simm.s32 @p2 $0x1082  }
0x22: {  	[simem:s7], [sflag:s8] =	dma.local @!p0 [hbm:s6], $0xF7A  }
0x23: {  	s9 =	sor.u32 $0xD0000000, s2;
	s6 =	simm.s32 $0x108;
	_ =	swait.ge @!p0 [sflag:s8], $0x0  }
0x24: {  	s3 =	sadd.s32 $0x88, s3;
	s6 =	simm.s32 @!p1 $0x1082;
	[sflag:s4] =	ssyncset.s32 $0xFFFFF086  }
0x25: {  	[simem:s6], [sflag:s4] =	dma.local [hbm:s3], $0xF7A  }
0x26: {  	[smem:$0x3F73] =	sst s1;
	(tag) =	ssettag s2;
	_ =	strace s9  }
0x27: {  	s1 =	sld [smem:$0x3F83]  }
0x28: {  	s2 =	sld [smem:$0x3F84]  }
0x29: {  	s4 =	sld [smem:$0x3F86]  }
0x2a: {  	p0 =	seq.s32 s5, $0x0;
	s5 =	sld [smem:$0x3F87]  }
0x2b: {  	s6 =	sld [smem:$0x3F88]  }
0x2c: {  	s7 =	sld [smem:$0x3F89]  }
0x2d: {  	s3 =	simm.s32 $0x108;
	s8 =	sld [smem:$0x3F8A]  }
0x2e: {  	s3 =	simm.s32 @!p0 $0x1082;
	s9 =	sld [smem:$0x3F8B]  }
0x2f: {  	lr =	sadd.s32 s0, s3;
	s0 =	sld [smem:$0x3F82]  }
0x30: {  	s3 =	sld [smem:$0x3F85]  }
0x31: {  	[smem:$0x3F8E] =	sst s10  }
0x32: {  	s10 =	sld [smem:$0x3F8C];
	_ =	sdelay $0x3  }
0x33: {  	p0 =	seq.s32 s10, $0x1;
	s10 =	sld [smem:$0x3F8E];
	_ =	sdelay $0x3  }
0x34: {  	[smem:$0x3F8E] =	sst s10  }
0x35: {  	s10 =	sld [smem:$0x3F8D];
	_ =	sdelay $0x3  }
0x36: {  	p1 =	seq.s32 s10, $0x1;
	s10 =	sld [smem:$0x3F8E];
	_ =	sdelay $0x3  }
0x37: {  	[smem:$0x3F8E] =	sst s10  }
0x38: {  	s10 =	sld [smem:$0x3F8F]  }
0x39: {  	_ = 	snop;
	(pc) =	sbr.ind lr, $3  }
0x3a: {  	_ = 	snop  }
0x3b: {  	_ = 	snop  }
0x3c: {  	p2 =	seq.s32 s10, $0x1;
	s10 =	sld [smem:$0x3F8E]  }
0x3d: {  	_ =	shalt  }
0x3e: {  	_ =	shalt  }
0x3f: {  	_ =	shalt  }
0x40: {  	_ =	shalt  }
0x41: {  	_ =	shalt  }
0x42: {  	_ =	shalt  }
0x43: {  	_ =	shalt  }
0x44: {  	_ =	shalt  }
0x45: {  	_ =	shalt  }
0x46: {  	_ =	shalt  }
0x47: {  	_ =	shalt  }
0x48: {  	_ =	shalt  }
0x49: {  	_ =	shalt  }
0x4a: {  	_ =	shalt  }
0x4b: {  	_ =	shalt  }
0x4c: {  	_ =	shalt  }
0x4d: {  	_ =	shalt  }
0x4e: {  	_ =	shalt  }
0x4f: {  	_ =	shalt  }
0x50: {  	_ =	shalt  }
0x51: {  	_ =	shalt  }
0x52: {  	_ =	shalt  }
0x53: {  	_ =	shalt  }
0x54: {  	_ =	shalt  }
0x55: {  	_ =	shalt  }
0x56: {  	_ =	shalt  }
0x57: {  	_ =	shalt  }
0x58: {  	_ =	shalt  }
0x59: {  	_ =	shalt  }
0x5a: {  	_ =	shalt  }
0x5b: {  	_ =	shalt  }
0x5c: {  	_ =	shalt  }
0x5d: {  	_ =	shalt  }
0x5e: {  	_ =	shalt  }
0x5f: {  	_ =	shalt  }
0x60: {  	_ =	shalt  }
0x61: {  	_ =	shalt  }
0x62: {  	_ =	shalt  }
0x63: {  	_ =	shalt  }
0x64: {  	_ =	shalt  }
0x65: {  	_ =	shalt  }
0x66: {  	_ =	shalt  }
0x67: {  	_ =	shalt  }
0x68: {  	_ =	shalt  }
0x69: {  	_ =	shalt  }
0x6a: {  	_ =	shalt  }
0x6b: {  	_ =	shalt  }
0x6c: {  	_ =	shalt  }
0x6d: {  	_ =	shalt  }
0x6e: {  	_ =	shalt  }
0x6f: {  	_ =	shalt  }
0x70: {  	_ =	shalt  }
0x71: {  	_ =	shalt  }
0x72: {  	_ =	shalt  }
0x73: {  	_ =	shalt  }
0x74: {  	_ =	shalt  }
0x75: {  	_ =	shalt  }
0x76: {  	_ =	shalt  }
0x77: {  	_ =	shalt  }
0x78: {  	_ =	shalt  }
0x79: {  	_ =	shalt  }
0x7a: {  	_ =	shalt  }
0x7b: {  	_ =	shalt  }
0x7c: {  	_ =	shalt  }
0x7d: {  	_ =	shalt  }
0x7e: {  	_ =	shalt  }
0x7f: {  	_ =	shalt  }
0x80: {  	_ =	shalt  }
0x81: {  	_ =	shalt  }
0x82: {  	_ =	shalt  }
0x83: {  	_ =	shalt  }
0x84: {  	_ =	shalt  }
0x85: {  	_ =	shalt  }
0x86: {  	_ =	shalt  }
0x87: {  	_ =	shalt  }
.Lfunc_end0:
.L_simem_size_0:
called_computation.1_lowered:
.L_overlay_start_0:
0x88: {  	s2 =	sld [smem:$0x3FD9]  }
0x89: {  	s3 =	sld [smem:$0x3FFE];
	_ =	sdelay $0x1  }
0x8a: {  	s1 =	srdreg.scid  }
0x8b: {  	s0 =	sand.u32 $0x1, s1  }
0x8c: {  	s14 =	sshll.u32 s0, $0xA;
	s2 =	sadd.s32 s3, s2  }
0x8d: {  	s2 =	sadd.s32 s2, s14  }
0x8e: {  	[smem:$0x3F9A] =	sst s2  }
0x8f: {  	_ = 	snop  }
0x90: {  	s2 =	sld [smem:$0x3FD0];
	_ =	sdelay $0x2  }
0x91: {  	s15 =	simm.s32 $0xA;
	s4 =	simm.s32 $0x10  }
0x92: {  	[smem:s4], [sflag:s15] =	dma.local [hbm:s2], $0x1  }
0x93: {  	_ =	swait.eq [sflag:s15], $0x1  }
0x94: {  	[sflag:s15] =	ssyncset.done $0x0  }
0x95: {  	[sflag:s15] =	ssyncadd.s32 $0xFFFFFFFF  }
0x96: {  	s16 =	sld [smem:$0x10];
	(tm) =	ssettm $0x1  }
0x97: {  	s17 =	sld [smem:$0x3FFB];
	_ =	sdelay $0x3  }
0x98: {  	_ =	strace s17  }
0x99: {  	s3 =	sld [smem:$0x3FFC];
	_ =	sdelay $0x3  }
0x9a: {  	_ =	strace s3  }
0x9b: {  	s3 =	sld [smem:$0x3FFD];
	_ =	sdelay $0x3  }
0x9c: {  	_ =	strace s3  }
0x9d: {  	_ =	strace $0x8FFFFFFF  }
0x9e: {  	s18 =	sld [smem:$0x3FDB];
	_ =	sdelay $0x1  }
0x9f: {  	s19 =	simm.s32 $_scs_section_size  }
0xa0: {  	s5 =	simm.s32 $_size__tile_overlayer_lowered;
	s6 =	simm.s32 $_tile_overlayer_lowered  }
0xa1: {  	s22 =	simm.s32 $0x1BFF;
	s21 =	sshll.u32 s6, $0x1;
	s3 =	sadd.s32 s19, s18  }
0xa2: {  	s7 =	simm.s32 $0x0;
	s20 =	sshll.u32 s5, $0x1;
	s5 =	sadd.s32 s21, s3  }
0xa3: {  	[timem:s7], [sflag:s22] =	dma.local [hbm:s5], s20  }
0xa4: {  	_ =	swait.ge [sflag:s22], s20  }
0xa5: {  	s4 =	ssub.s32 $0x0, s20;
	[sflag:s22] =	ssyncset.done $0x0  }
0xa6: {  	[sflag:s22] =	ssyncadd.s32 s4;
	_ =	sdelay $0x1  }
0xa7: {  	s23 =	simm.s32 $0x1B8B  }
0xa8: {  	_ =	swait.ge [sflag:s23], $0x1  }
0xa9: {  	[sflag:s23] =	ssyncset.done $0x0  }
0xaa: {  	s25 =	simm.s32 $0x1B8E;
	s24 =	sld [smem:$0x3FFE];
	[sflag:s23] =	ssyncadd.s32 $0xFFFFFFFF  }
0xab: {  	s26 =	simm.s32 $execute0_lowered;
	[smem:$0x3FD2] =	sst s25  }
0xac: {  	s5 =	sshll.u32 s26, $0x1;
	_ =	strace $0x80000049;
	[dreg:$0x1] =	wrdreg $0xFFFFFFFF  }
0xad: {  	s28 =	simm.s32 $_size_execute0_lowered;
	s3 =	sadd.s32 s3, s5;
	[dreg:$0x0] =	wrdreg $0x0  }
0xae: {  	s5 =	sshll.u32 s28, $0x1;
	[dreg:$0x2] =	wrdreg s3  }
0xaf: {  	[dreg:$0x3] =	wrdreg s5  }
0xb0: {  	[dreg:$0x4] =	wrdreg $0xC0  }
0xb1: {  	_ =	task [dreg:s7], $0x5FFFF  }
0xb2: {  	[dreg:$0x1] =	wrdreg $0xFFFFFFFF  }
0xb3: {  	[dreg:$0x0] =	wrdreg $0x60  }
0xb4: {  	[dreg:$0x2] =	wrdreg s24  }
0xb5: {  	[dreg:$0x3] =	wrdreg s16  }
0xb6: {  	[dreg:$0x4] =	wrdreg s1  }
0xb7: {  	[dreg:$0x5] =	wrdreg $0x9  }
0xb8: {  	_ =	task.clear_ibuf [dreg:s7], $0x6FFFF;
	_ =	strace $0x90000049  }
0xb9: {  	s29 =	simm.s32 $0x9;
	_ =	strace $0x8000004B  }
0xba: {  	_ =	swait.ge [sflag:s29], $0x1  }
0xbb: {  	[sflag:s29] =	ssyncadd.s32 $0xFFFFFFFF  }
0xbc: {  	_ =	strace $0x9000004B  }
0xbd: {  	_ =	sfence  }
0xbe: {  	s30 =	sld [smem:$0x0];
	_ =	sdelay $0x2  }
0xbf: {  	s31 =	sshll.u32 s1, $0xD;
	s1 =	sshrl.u32 s1, $0x2  }
0xc0: {  	s3 =	sand.u32 $0x4000, s31;
	s1 =	sadd.s32 s1, s30  }
0xc1: {  	s0 =	sor.u32 s3, s0;
	s1 =	sshll.u32 s1, $0x11  }
0xc2: {  	s0 =	sor.u32 s1, s0  }
0xc3: {  	s0 =	sadd.s32 $0x8F2B, s0  }
0xc4: {  	[sflag:s0] =	ssyncadd.remote.s32 $0x1  }
0xc5: {  	_ =	sfence.sel $0xFFFF  }
0xc6: {  	[dreg:$0x0] =	wrdreg $0xFFFFFFFF;
	(pc) =	sbr.abs _section_cstart, $3  }
0xc7: {  	[dreg:$0x1] =	wrdreg $0xFFFFFFFF  }
0xc8: {  	_ =	task.clear_ibuf [dreg:s7], $0x2FFFF;
	_ =	strace $0x9FFFFFFF  }
0xc9: {  	(tm) =	ssettm $0x7FFFFFFF  }
tec
execute0_lowered:
.L_overlay_start_1:
0x0: {  	(tag) =	ssettag $0x1  }
0x1: {  	s1 =	stileid.u32  }
0x2: {  	s2 =	rddreg [dreg:$0x2];
	s3 =	smul.u32 $0xC, s1  }
0x3: {  	s7 =	simm.s32 $0x1A0;
	s2 =	sand.u32 $0x1, s2;
	s31 =	smin.u32 s1, $0x4  }
0x4: {  	p1 =	slt.u32 s1, $0x4;
	p0 =	seq.s32 s2, $0x1;
	s2 =	sadd.s32 s31, s3  }
0x5: {  	s7 =	simm.s32 @!p1 $0x180;
	s5 =	sshll.u32 s2, $0x5  }
0x6: {  	s7 =	sadd.s32 s7, s5  }
0x7: {  	s8 =	smin.u32 s7, $0x1880  }
0x8: {  	s9 =	simm.s32 $0x1880;
	s7 =	ssub.s32 s8, s5  }
0x9: {  	s4 =	rddreg [dreg:$0x0];
	s9 =	simm.s32 @!p0 $0x0;
	p0 =	sgt.s32 s7, $0x0  }
0xa: {  	s6 =	rddreg [dreg:$0x1];
	s10 =	sshll.u32 s9, $0x7;
	s7 =	simm.s32 @!p0 $0x0  }
0xb: {  	s11 =	sshrl.u32 s9, $0x3;
	s10 =	sadd.s32 s10, s4;
	s9 =	sshrl.u32 s7, $0x5  }
0xc: {  	s7 =	sadd.s32 s11, s6;
	s6 =	sadd.s32 $0x200, s10;
	s10 =	sadd.s32 $0x1, s9  }
0xd: {  	s0 =	rddreg [dreg:$0x3];
	p2 =	sne.s32 s10, $0x1  }
.Ltmp0:
0xe: {  	_ =	strace $0x8000004A;
	s12 =	simm.s32 $0x0;
	(pc) =	sbr.rel @!p2 .LBB2_1-.Ltmp0, $4  }
0xf: {  	p1 =	por $0x0, $0x0;
	s3 =	sadd.s32 $0x188200, s4;
	s2 =	simm.s32 $0x1  }
0x10: {  	[sflag:s2] =	ssyncpa.u1 $0x0;
	(ifvalue) =	ssetifvalue $0x3090400;
	s4 =	simm.s32 $0x2  }
0x11: {  	[sflag:s4] =	ssyncpa.u1 $0x0;
	p0 =	por $0x1, $0x1;
	p3 =	sle.u32 s9, $0x0  }
0x12: {  	s11 =	simm.s32 $0x1;
	s14 =	sxor.u32 @!p3 $0xFFFFFFFF, s12;
	s13 =	simm.s32 @!p3 $0x0  }
0x13: {  	s14 =	sand.u32 @!p3 $0x1, s14  }
0x14: {  	s15 =	sshrl.u32 @!p3 s5, $0x3;
	s17 =	sshll.u32 @!p3 s5, $0x7;
	s18 =	sand.u32 @!p3 $0x7, s5  }
0x15: {  	s16 =	sshll.u32 @!p3 s14, $0x5;
	s14 =	sshll.u32 @!p3 s14, $0xE;
	s15 =	sadd.s32 @!p3 s15, s7  }
0x16: {  	[tilespmem:s16], [sflag:$0x2] =	stream.linear.gather @!p3 [hbm4b:s15+s18], $0x20, $0x38;
	[tilespmem:$0x8060] =	vst v63  }
0x17: {  	s15 =	sadd.s32 @!p3 s17, s6;
	s14 =	sor.u32 @!p3 $0x40, s14;
	s16 =	simm.s32 @!p0 $0x2  }
0x18: {  	[tilespmem:s14], [sflag:$0x2] =	stream.linear.gather @!p3 [hbm4b:s15+s13], $0x4000, $0x38;
	[tilespmem:$0x8060] =	vst v63  }
0x19: {  	_ =	swait.ge @!p0 [sflag:s16], $0x4020  }
0x1a: {  	s12 =	sand.u32 @!p0 $0x1, s12;
	[sflag:s16] =	ssyncset.done @!p0 $0x0  }
0x1b: {  	p2 =	por p0, p0;
	s13 =	sshll.u32 @!p0 s12, $0x5;
	[sflag:s16] =	ssyncadd.s32 @!p0 $0xFFFFBFE0  }
0x1c: {  	v0 =	vld.msk @!p2 [tilespmem:s13+$0x0 ss:$0x1], $0xffff;
	_ =	sdelay $0x4  }
0x1d: {  	v0 =	vshll.u32 @!p2 v0, $0xA  }
0x1e: {  	v0 =	vmin.u32 @!p2 v0, $0x3090400  }
0x1f: {  	v0 =	vshrl.u32 @!p2 v0, $0x9  }
0x20: {  	s13 =	sor.u32 @!p0 $0x10, s13;
	[tilespmem:$0x8040] =	vst @!p2 v0  }
0x21: {  	v0 =	vld.msk @!p2 [tilespmem:s13+$0x0 ss:$0x1], $0xffff;
	_ =	sdelay $0x3  }
0x22: {  	p4 =	sne.s32 s10, $0x2  }
0x23: {  	p1 =	por $0x1, $0x1;
	s17 =	simm.s32 @!p2 $0x8040;
	s12 =	sshll.u32 @!p0 s12, $0xE;
	v0 =	vshll.u32 @!p2 v0, $0xA  }
.Ltmp1:
0x24: {  	s14 =	simm.s32 @!p2 $0x20;
	s16 =	sadd.s32 $0x20, s5;
	v0 =	vmin.u32 @!p2 v0, $0x3090400;
	(pc) =	sbr.rel @!p4 .LBB2_3-.Ltmp1, $4  }
0x25: {  	s15 =	simm.s32 @!p2 $0x1;
	p3 =	sle.u32 s9, $0x1;
	p5 =	slt.s32 s16, s8;
	v0 =	vshrl.u32 @!p2 v0, $0x9  }
0x26: {  	s13 =	sor.u32 @!p0 $0x40, s12;
	s12 =	simm.s32 $0x2;
	[tilespmem:$0x8050] =	vst @!p2 v0;
	(ifvalue) =	ssetifvalue @!p2 $0x3090400  }
0x27: {  	[hbm:s3] =	stream.indirect.scatter @!p2 [tilespmem:s13], [sflag:$0x1], $0x200, s17, s14, $0x40b8;
	[tilespmem:$0x8060] =	vst v63  }
0x28: {  	p0 =	por $0x0, $0x0;
	s14 =	sxor.u32 @!p3 $0xFFFFFFFF, s11;
	s13 =	simm.s32 @!p3 $0x0  }
.LBB2_4:
0x29: {  	s17 =	sand.u32 @!p3 $0x1, s14;
	s14 =	smov.u32 s5  }
0x2a: {  	_ =	swait.ge @!p2 [sflag:s15], $0x4000;
	s14 =	smov.u32 @p5 s16  }
0x2b: {  	s18 =	sshll.u32 @!p3 s17, $0x5;
	s16 =	sshrl.u32 @!p3 s14, $0x3;
	[sflag:s15] =	ssyncset.done @!p2 $0x0  }
0x2c: {  	s17 =	sshll.u32 @!p3 s17, $0xE;
	s19 =	sshll.u32 @!p3 s14, $0x7;
	[sflag:s15] =	ssyncadd.s32 @!p2 $0xFFFFC000  }
0x2d: {  	s20 =	sand.u32 @!p3 $0x7, s14;
	s16 =	sadd.s32 @!p3 s16, s7;
	[sflag:s15] =	ssyncpa.u1 @!p2 $0x1  }
0x2e: {  	s11 =	sand.u32 @!p0 $0x1, s11;
	s17 =	sor.u32 @!p3 $0x40, s17;
	s15 =	sadd.s32 @!p3 s19, s6  }
0x2f: {  	[tilespmem:s18], [sflag:$0x2] =	stream.linear.gather @!p3 [hbm4b:s16+s20], $0x20, $0x38;
	[tilespmem:$0x8060] =	vst v63  }
0x30: {  	s16 =	simm.s32 @!p0 $0x2;
	s18 =	sshll.u32 @!p0 s11, $0x5;
	s11 =	sshll.u32 @!p0 s11, $0xE  }
0x31: {  	[tilespmem:s17], [sflag:$0x2] =	stream.linear.gather @!p3 [hbm4b:s15+s13], $0x4000, $0x38;
	[tilespmem:$0x8060] =	vst v63  }
0x32: {  	s13 =	sor.u32 @!p0 $0x10, s18;
	s17 =	sor.u32 @!p0 $0x40, s11;
	_ =	swait.ge @!p0 [sflag:s16], $0x4020  }
0x33: {  	s11 =	smov.u32 s12;
	s12 =	sadd.s32 $0x1, s12;
	[sflag:s16] =	ssyncset.done @!p0 $0x0  }
0x34: {  	p2 =	por p0, p0;
	p4 =	sne.s32 s10, s12;
	[sflag:s16] =	ssyncadd.s32 @!p0 $0xFFFFBFE0  }
0x35: {  	v0 =	vld.msk @!p2 [tilespmem:s18+$0x0 ss:$0x1], $0xffff;
	_ =	sdelay $0x5  }
0x36: {  	v0 =	vshll.u32 @!p2 v0, $0xA  }
0x37: {  	v0 =	vmin.u32 @!p2 v0, $0x3090400  }
0x38: {  	v0 =	vshrl.u32 @!p2 v0, $0x9  }
0x39: {  	[tilespmem:$0x8040] =	vst @!p2 v0  }
0x3a: {  	v0 =	vld.msk @!p2 [tilespmem:s13+$0x0 ss:$0x1], $0xffff;
	_ =	sdelay $0x5  }
0x3b: {  	v0 =	vshll.u32 @!p2 v0, $0xA  }
.Ltmp2:
0x3c: {  	s19 =	simm.s32 @!p2 $0x8040;
	s18 =	simm.s32 @!p2 $0x20;
	v0 =	vmin.u32 @!p2 v0, $0x3090400;
	(pc) =	sbr.rel @p4 .LBB2_4-.Ltmp2, $4  }
0x3d: {  	s15 =	simm.s32 @!p2 $0x1;
	s16 =	sadd.s32 $0x20, s14;
	v0 =	vshrl.u32 @!p2 v0, $0x9  }
0x3e: {  	p3 =	sge.u32 s11, s9;
	p0 =	seq.s32 s11, $0x0;
	p5 =	slt.s32 s16, s8;
	[tilespmem:$0x8050] =	vst @!p2 v0  }
0x3f: {  	s14 =	sxor.u32 @!p3 $0xFFFFFFFF, s11;
	s13 =	simm.s32 @!p3 $0x0;
	(ifvalue) =	ssetifvalue @!p2 $0x3090400  }
0x40: {  	[hbm:s3] =	stream.indirect.scatter @!p2 [tilespmem:s17], [sflag:$0x1], $0x200, s19, s18, $0x40b8;
	[tilespmem:$0x8060] =	vst v63  }
0x41: {  	s12 =	smov.u32 s11  }
.LBB2_6:
0x42: {  	p4 =	por !p5, !p1;
	p2 =	por p2, !p1;
	s8 =	sand.u32 @!p3 $0x1, s14  }
0x43: {  	s16 =	smov.u32 @p4 s5;
	_ =	swait.ge @!p2 [sflag:s15], $0x4000;
	s10 =	sshll.u32 @!p3 s8, $0x5  }
0x44: {  	s8 =	sshll.u32 @!p3 s8, $0xE;
	s5 =	smov.u32 @p1 s16;
	[sflag:s15] =	ssyncset.done @!p2 $0x0  }
0x45: {  	s9 =	sshrl.u32 @!p3 s5, $0x3;
	s11 =	sshll.u32 @!p3 s5, $0x7;
	[sflag:s15] =	ssyncadd.s32 @!p2 $0xFFFFC000  }
0x46: {  	s5 =	sand.u32 @!p3 $0x7, s5;
	s7 =	sadd.s32 @!p3 s9, s7;
	[sflag:s15] =	ssyncpa.u1 @!p2 $0x1  }
0x47: {  	[tilespmem:s10], [sflag:$0x2] =	stream.linear.gather @!p3 [hbm4b:s7+s5], $0x20, $0x38;
	[tilespmem:$0x8060] =	vst v63  }
0x48: {  	s5 =	sadd.s32 @!p3 s11, s6;
	s6 =	sor.u32 @!p3 $0x40, s8;
	s7 =	simm.s32 @!p0 $0x2  }
0x49: {  	[tilespmem:s6], [sflag:$0x2] =	stream.linear.gather @!p3 [hbm4b:s5+s13], $0x4000, $0x38;
	[tilespmem:$0x8060] =	vst v63  }
0x4a: {  	_ =	swait.ge @!p0 [sflag:s7], $0x4020  }
0x4b: {  	s5 =	sand.u32 @!p0 $0x1, s12;
	[sflag:s7] =	ssyncset.done @!p0 $0x0  }
0x4c: {  	p1 =	por p0, p0;
	s6 =	sshll.u32 @!p0 s5, $0x5;
	[sflag:s7] =	ssyncadd.s32 @!p0 $0xFFFFBFE0  }
0x4d: {  	v0 =	vld.msk @!p1 [tilespmem:s6+$0x0 ss:$0x1], $0xffff;
	_ =	sdelay $0x4  }
0x4e: {  	v0 =	vshll.u32 @!p1 v0, $0xA  }
0x4f: {  	v0 =	vmin.u32 @!p1 v0, $0x3090400  }
0x50: {  	v0 =	vshrl.u32 @!p1 v0, $0x9  }
0x51: {  	s6 =	sor.u32 @!p0 $0x10, s6;
	[tilespmem:$0x8040] =	vst @!p1 v0  }
0x52: {  	v0 =	vld.msk @!p1 [tilespmem:s6+$0x0 ss:$0x1], $0xffff;
	_ =	sdelay $0x4  }
0x53: {  	v0 =	vshll.u32 @!p1 v0, $0xA  }
0x54: {  	s5 =	sshll.u32 @!p0 s5, $0xE;
	v0 =	vmin.u32 @!p1 v0, $0x3090400  }
0x55: {  	s8 =	simm.s32 @!p1 $0x1;
	s5 =	sor.u32 @!p0 $0x40, s5;
	v0 =	vshrl.u32 @!p1 v0, $0x9  }
0x56: {  	s7 =	simm.s32 @!p1 $0x8040;
	s6 =	simm.s32 @!p1 $0x20;
	[tilespmem:$0x8050] =	vst @!p1 v0;
	(ifvalue) =	ssetifvalue @!p1 $0x3090400  }
0x57: {  	[hbm:s3] =	stream.indirect.scatter @!p1 [tilespmem:s5], [sflag:$0x1], $0x200, s7, s6, $0x40b8;
	[tilespmem:$0x8060] =	vst v63  }
0x58: {  	_ =	swait.ge @!p1 [sflag:s8], $0x4000  }
0x59: {  	[sflag:s8] =	ssyncset.done @!p1 $0x0  }
0x5a: {  	[sflag:s8] =	ssyncadd.s32 @!p1 $0xFFFFC000  }
0x5b: {  	[sflag:s8] =	ssyncpa.u1 @!p1 $0x1  }
0x5c: {  	_ =	sfence.sel $0x180000  }
0x5d: {  	[bflag:$0x0] =	sbarrier.arrive $0xFFFF  }
0x5e: {  	[sflag:s4] =	ssyncpa.u1 $0x1  }
0x5f: {  	[sflag:s2] =	ssyncpa.u1 $0x1  }
0x60: {  	p0 =	sne.s32 s1, $0x0;
	_ =	strace $0x9000004A  }
0x61: {  	s0 =	sadd.s32 @!p0 $0x100000, s0;
	[bflag:$0x2] =	sbarrier.arrive $0xFFFF  }
0x62: {  	[sflag:s0] =	ssyncadd.tile.s32 @!p0 $0x1;
	_ =	shalt  }
.LBB2_1:
.Ltmp3:
0x63: {  	(pc) =	sbr.rel .LBB2_6-.Ltmp3, $2  }
0x64: {  	_ =	sdelay $0x2  }
0x65: {  	_ = 	snop  }
.LBB2_3:
.Ltmp4:
0x66: {  	(pc) =	sbr.rel .LBB2_6-.Ltmp4, $2  }
0x67: {  	_ =	sdelay $0x2  }
0x68: {  	s12 =	simm.s32 $0x1  }
.Lfunc_end2:
_tile_overlayer_lowered:
.L_overlay_start_2:
0x69: {  	(tag) =	ssettag $0x2  }
0x6a: {  	s0 =	rddreg [dreg:$0x0];
	s2 =	stileid.u32  }
0x6b: {  	s1 =	rddreg [dreg:$0x1];
	p0 =	sne.s32 s2, $0x0  }
0x6c: {  	s3 =	rddreg [dreg:$0x2];
	[bflag:$0x3] =	sbarrier.arrive $0xFFFF;
	s2 =	simm.s32 @!p0 $0x1C01  }
0x6d: {  	[timem:s3], [sflag:s2] =	dma.local @!p0 [hbm:s0], s1  }
0x6e: {  	s0 =	simm.s32 @!p0 $0x1  }
0x6f: {  	_ =	swait.ge @!p0 [sflag:s0], s1  }
0x70: {  	s1 =	ssub.s32 @!p0 $0x0, s1;
	[sflag:s0] =	ssyncset.done @!p0 $0x0  }
0x71: {  	[sflag:s0] =	ssyncadd.s32 @!p0 s1  }
0x72: {  	[bflag:$0x3] =	sbarrier.arrive $0xFFFF  }
0x73: {  	_ =	shalt  }

// kernel: scatter_offload_async_start
scs
__scs_entry_jumppad:
0x0: {  	(pc) =	sbr.rel $0x88, $3  }
0x1: {  	(tag) =	ssettag $0x0;
	lr =	simm.s32 $0x1  }
0x2: {  	[smem:$0x3F73] =	sst lr;
	_ =	strace $0xD0000000  }
0x3: {  	_ = 	snop  }
0x4: {  	_ = 	snop  }
0x5: {  	_ = 	snop  }
0x6: {  	_ = 	snop  }
0x7: {  	_ = 	snop  }
__scs_overlays_trampoline_lowered:
0x8: {  	[smem:$0x3F82] =	sst s0  }
0x9: {  	[smem:$0x3F83] =	sst s1  }
0xa: {  	[smem:$0x3F84] =	sst s2  }
0xb: {  	[smem:$0x3F85] =	sst s3  }
0xc: {  	[smem:$0x3F86] =	sst s4  }
0xd: {  	[smem:$0x3F87] =	sst s5  }
0xe: {  	[smem:$0x3F88] =	sst s6  }
0xf: {  	[smem:$0x3F89] =	sst s7  }
0x10: {  	[smem:$0x3F8A] =	sst s8  }
0x11: {  	[smem:$0x3F8B] =	sst s9;
	s0 =	simm.s32 @!p0 $0x0  }
0x12: {  	s1 =	sld [smem:$0x3F71];
	s0 =	simm.s32 @p0 $0x1  }
0x13: {  	[smem:$0x3F8C] =	sst s0;
	s0 =	simm.s32 @!p1 $0x0  }
0x14: {  	s2 =	sld [smem:$0x3F70];
	s0 =	simm.s32 @p1 $0x1  }
0x15: {  	[smem:$0x3F8D] =	sst s0;
	s0 =	simm.s32 @!p2 $0x0  }
0x16: {  	s3 =	sld [smem:$0x3FDB];
	s0 =	simm.s32 @p2 $0x1  }
0x17: {  	s4 =	simm.s32 $0x1BF5;
	[smem:$0x3F8F] =	sst s0  }
0x18: {  	s0 =	sld [smem:$0x3F72];
	_ =	swait.ge [sflag:s4], $0x0  }
0x19: {  	s7 =	sld [smem:$0x3F73]  }
0x1a: {  	s8 =	sadd.s32 $0xFFFFE003, lr  }
0x1b: {  	s9 =	sadd.s32 $0xFFFFFEF7, lr;
	s5 =	simm.s32 $0xFFFFFFFF;
	p2 =	slt.u32 s8, $0xFFFFF086  }
0x1c: {  	p1 =	slt.u32 s9, $0xF7A;
	s5 =	simm.s32 @!p2 $0x0  }
0x1d: {  	s5 =	simm.s32 @p1 $0x1;
	p0 =	seq.s32 s7, s2  }
0x1e: {  	s7 =	smul.u32 @!p0 $0xF7A, s2;
	p2 =	seq.s32 @!p0 s5, $0x0  }
0x1f: {  	s9 =	smul.u32 $0xF7A, s1;
	s8 =	simm.s32 @!p0 $0x1BF5;
	p2 =	por !p2, p0  }
0x20: {  	[sflag:s8] =	ssyncset.s32 @!p0 $0xFFFFF086;
	s6 =	sadd.s32 @!p0 s3, s7;
	s7 =	simm.s32 @!p0 $0x108  }
0x21: {  	s3 =	sadd.s32 s3, s9;
	s6 =	sadd.s32 @!p0 $0x88, s6;
	s7 =	simm.s32 @p2 $0x1082  }
0x22: {  	[simem:s7], [sflag:s8] =	dma.local @!p0 [hbm:s6], $0xF7A  }
0x23: {  	s9 =	sor.u32 $0xD0000000, s2;
	s6 =	simm.s32 $0x108;
	_ =	swait.ge @!p0 [sflag:s8], $0x0  }
0x24: {  	s3 =	sadd.s32 $0x88, s3;
	s6 =	simm.s32 @!p1 $0x1082;
	[sflag:s4] =	ssyncset.s32 $0xFFFFF086  }
0x25: {  	[simem:s6], [sflag:s4] =	dma.local [hbm:s3], $0xF7A  }
0x26: {  	[smem:$0x3F73] =	sst s1;
	(tag) =	ssettag s2;
	_ =	strace s9  }
0x27: {  	s1 =	sld [smem:$0x3F83]  }
0x28: {  	s2 =	sld [smem:$0x3F84]  }
0x29: {  	s4 =	sld [smem:$0x3F86]  }
0x2a: {  	p0 =	seq.s32 s5, $0x0;
	s5 =	sld [smem:$0x3F87]  }
0x2b: {  	s6 =	sld [smem:$0x3F88]  }
0x2c: {  	s7 =	sld [smem:$0x3F89]  }
0x2d: {  	s3 =	simm.s32 $0x108;
	s8 =	sld [smem:$0x3F8A]  }
0x2e: {  	s3 =	simm.s32 @!p0 $0x1082;
	s9 =	sld [smem:$0x3F8B]  }
0x2f: {  	lr =	sadd.s32 s0, s3;
	s0 =	sld [smem:$0x3F82]  }
0x30: {  	s3 =	sld [smem:$0x3F85]  }
0x31: {  	[smem:$0x3F8E] =	sst s10  }
0x32: {  	s10 =	sld [smem:$0x3F8C];
	_ =	sdelay $0x3  }
0x33: {  	p0 =	seq.s32 s10, $0x1;
	s10 =	sld [smem:$0x3F8E];
	_ =	sdelay $0x3  }
0x34: {  	[smem:$0x3F8E] =	sst s10  }
0x35: {  	s10 =	sld [smem:$0x3F8D];
	_ =	sdelay $0x3  }
0x36: {  	p1 =	seq.s32 s10, $0x1;
	s10 =	sld [smem:$0x3F8E];
	_ =	sdelay $0x3  }
0x37: {  	[smem:$0x3F8E] =	sst s10  }
0x38: {  	s10 =	sld [smem:$0x3F8F]  }
0x39: {  	_ = 	snop;
	(pc) =	sbr.ind lr, $3  }
0x3a: {  	_ = 	snop  }
0x3b: {  	_ = 	snop  }
0x3c: {  	p2 =	seq.s32 s10, $0x1;
	s10 =	sld [smem:$0x3F8E]  }
0x3d: {  	_ =	shalt  }
0x3e: {  	_ =	shalt  }
0x3f: {  	_ =	shalt  }
0x40: {  	_ =	shalt  }
0x41: {  	_ =	shalt  }
0x42: {  	_ =	shalt  }
0x43: {  	_ =	shalt  }
0x44: {  	_ =	shalt  }
0x45: {  	_ =	shalt  }
0x46: {  	_ =	shalt  }
0x47: {  	_ =	shalt  }
0x48: {  	_ =	shalt  }
0x49: {  	_ =	shalt  }
0x4a: {  	_ =	shalt  }
0x4b: {  	_ =	shalt  }
0x4c: {  	_ =	shalt  }
0x4d: {  	_ =	shalt  }
0x4e: {  	_ =	shalt  }
0x4f: {  	_ =	shalt  }
0x50: {  	_ =	shalt  }
0x51: {  	_ =	shalt  }
0x52: {  	_ =	shalt  }
0x53: {  	_ =	shalt  }
0x54: {  	_ =	shalt  }
0x55: {  	_ =	shalt  }
0x56: {  	_ =	shalt  }
0x57: {  	_ =	shalt  }
0x58: {  	_ =	shalt  }
0x59: {  	_ =	shalt  }
0x5a: {  	_ =	shalt  }
0x5b: {  	_ =	shalt  }
0x5c: {  	_ =	shalt  }
0x5d: {  	_ =	shalt  }
0x5e: {  	_ =	shalt  }
0x5f: {  	_ =	shalt  }
0x60: {  	_ =	shalt  }
0x61: {  	_ =	shalt  }
0x62: {  	_ =	shalt  }
0x63: {  	_ =	shalt  }
0x64: {  	_ =	shalt  }
0x65: {  	_ =	shalt  }
0x66: {  	_ =	shalt  }
0x67: {  	_ =	shalt  }
0x68: {  	_ =	shalt  }
0x69: {  	_ =	shalt  }
0x6a: {  	_ =	shalt  }
0x6b: {  	_ =	shalt  }
0x6c: {  	_ =	shalt  }
0x6d: {  	_ =	shalt  }
0x6e: {  	_ =	shalt  }
0x6f: {  	_ =	shalt  }
0x70: {  	_ =	shalt  }
0x71: {  	_ =	shalt  }
0x72: {  	_ =	shalt  }
0x73: {  	_ =	shalt  }
0x74: {  	_ =	shalt  }
0x75: {  	_ =	shalt  }
0x76: {  	_ =	shalt  }
0x77: {  	_ =	shalt  }
0x78: {  	_ =	shalt  }
0x79: {  	_ =	shalt  }
0x7a: {  	_ =	shalt  }
0x7b: {  	_ =	shalt  }
0x7c: {  	_ =	shalt  }
0x7d: {  	_ =	shalt  }
0x7e: {  	_ =	shalt  }
0x7f: {  	_ =	shalt  }
0x80: {  	_ =	shalt  }
0x81: {  	_ =	shalt  }
0x82: {  	_ =	shalt  }
0x83: {  	_ =	shalt  }
0x84: {  	_ =	shalt  }
0x85: {  	_ =	shalt  }
0x86: {  	_ =	shalt  }
0x87: {  	_ =	shalt  }
.Lfunc_end0:
.L_simem_size_0:
called_computation_lowered:
.L_overlay_start_0:
0x88: {  	s2 =	sld [smem:$0x3FD9]  }
0x89: {  	s3 =	sld [smem:$0x3FFE];
	_ =	sdelay $0x1  }
0x8a: {  	s1 =	srdreg.scid  }
0x8b: {  	s0 =	sand.u32 $0x1, s1  }
0x8c: {  	s16 =	sshll.u32 s0, $0xA;
	s2 =	sadd.s32 s3, s2  }
0x8d: {  	s2 =	sadd.s32 s2, s16  }
0x8e: {  	[smem:$0x3F9A] =	sst s2  }
0x8f: {  	_ = 	snop  }
0x90: {  	(tm) =	ssettm $0x1  }
0x91: {  	s17 =	sld [smem:$0x3FFB];
	_ =	sdelay $0x3  }
0x92: {  	_ =	strace s17  }
0x93: {  	s2 =	sld [smem:$0x3FFC];
	_ =	sdelay $0x3  }
0x94: {  	_ =	strace s2  }
0x95: {  	s2 =	sld [smem:$0x3FFD];
	_ =	sdelay $0x3  }
0x96: {  	_ =	strace s2  }
0x97: {  	_ =	strace $0x8FFFFFFF  }
0x98: {  	s18 =	sld [smem:$0x3FDB];
	_ =	sdelay $0x1  }
0x99: {  	s19 =	simm.s32 $_scs_section_size  }
0x9a: {  	s4 =	simm.s32 $_size__tile_overlayer_lowered;
	s5 =	simm.s32 $_tile_overlayer_lowered  }
0x9b: {  	s22 =	simm.s32 $0x1BFF;
	s21 =	sshll.u32 s5, $0x1;
	s2 =	sadd.s32 s19, s18  }
0x9c: {  	s6 =	simm.s32 $0x0;
	s20 =	sshll.u32 s4, $0x1;
	s4 =	sadd.s32 s21, s2  }
0x9d: {  	[timem:s6], [sflag:s22] =	dma.local [hbm:s4], s20  }
0x9e: {  	_ =	swait.ge [sflag:s22], s20  }
0x9f: {  	s3 =	ssub.s32 $0x0, s20;
	[sflag:s22] =	ssyncset.done $0x0  }
0xa0: {  	[sflag:s22] =	ssyncadd.s32 s3;
	_ =	sdelay $0x1  }
0xa1: {  	s23 =	simm.s32 $0x1B8B  }
0xa2: {  	_ =	swait.ge [sflag:s23], $0x1  }
0xa3: {  	[sflag:s23] =	ssyncset.done $0x0  }
0xa4: {  	s25 =	simm.s32 $0x1B8E;
	s24 =	sld [smem:$0x3FFE];
	[sflag:s23] =	ssyncadd.s32 $0xFFFFFFFF  }
0xa5: {  	s26 =	simm.s32 $execute0_lowered;
	[smem:$0x3FD2] =	sst s25  }
0xa6: {  	s4 =	sshll.u32 s26, $0x1;
	_ =	strace $0x80000046;
	[dreg:$0x1] =	wrdreg $0xFFFFFFFF  }
0xa7: {  	s28 =	simm.s32 $_size_execute0_lowered;
	s2 =	sadd.s32 s2, s4;
	[dreg:$0x0] =	wrdreg $0x0  }
0xa8: {  	s4 =	sshll.u32 s28, $0x1;
	[dreg:$0x2] =	wrdreg s2  }
0xa9: {  	[dreg:$0x3] =	wrdreg s4  }
0xaa: {  	[dreg:$0x4] =	wrdreg $0xC0  }
0xab: {  	_ =	task [dreg:s6], $0x5FFFF  }
0xac: {  	[dreg:$0x1] =	wrdreg $0xFFFFFFFF  }
0xad: {  	[dreg:$0x0] =	wrdreg $0x60  }
0xae: {  	[dreg:$0x2] =	wrdreg s24  }
0xaf: {  	[dreg:$0x3] =	wrdreg s1  }
0xb0: {  	[dreg:$0x4] =	wrdreg $0x9  }
0xb1: {  	_ =	task.clear_ibuf [dreg:s6], $0x5FFFF;
	_ =	strace $0x90000046  }
0xb2: {  	s29 =	simm.s32 $0x9;
	_ =	strace $0x80000048  }
0xb3: {  	_ =	swait.ge [sflag:s29], $0x1  }
0xb4: {  	[sflag:s29] =	ssyncadd.s32 $0xFFFFFFFF  }
0xb5: {  	_ =	strace $0x90000048  }
0xb6: {  	_ =	sfence  }
0xb7: {  	s30 =	sld [smem:$0x0];
	_ =	sdelay $0x2  }
0xb8: {  	s31 =	sshll.u32 s1, $0xD;
	s1 =	sshrl.u32 s1, $0x2  }
0xb9: {  	s3 =	sand.u32 $0x4000, s31;
	s1 =	sadd.s32 s1, s30  }
0xba: {  	s0 =	sor.u32 s3, s0;
	s1 =	sshll.u32 s1, $0x11  }
0xbb: {  	s0 =	sor.u32 s1, s0  }
0xbc: {  	s0 =	sadd.s32 $0x8F2B, s0  }
0xbd: {  	[sflag:s0] =	ssyncadd.remote.s32 $0x1  }
0xbe: {  	_ =	sfence.sel $0xFFFF  }
0xbf: {  	[dreg:$0x0] =	wrdreg $0xFFFFFFFF;
	(pc) =	sbr.abs _section_cstart, $3  }
0xc0: {  	[dreg:$0x1] =	wrdreg $0xFFFFFFFF  }
0xc1: {  	_ =	task.clear_ibuf [dreg:s6], $0x2FFFF;
	_ =	strace $0x9FFFFFFF  }
0xc2: {  	(tm) =	ssettm $0x7FFFFFFF  }
0xc3: {  	_ =	shalt  }
tec
execute0_lowered:
.L_overlay_start_1:
0x0: {  	(tag) =	ssettag $0x1  }
0x1: {  	s1 =	stileid.u32  }
0x2: {  	s2 =	rddreg [dreg:$0x1];
	s3 =	smul.u32 $0x6, s1  }
0x3: {  	s7 =	simm.s32 $0x70;
	s2 =	sand.u32 $0x1, s2;
	s29 =	smin.u32 s1, $0x2  }
0x4: {  	p1 =	slt.u32 s1, $0x2;
	p0 =	seq.s32 s2, $0x1;
	s2 =	sadd.s32 s29, s3  }
0x5: {  	s7 =	simm.s32 @!p1 $0x60;
	s5 =	sshll.u32 s2, $0x4  }
0x6: {  	s7 =	sadd.s32 s7, s5  }
0x7: {  	s8 =	smin.u32 s7, $0x620  }
0x8: {  	s4 =	simm.s32 $0x620;
	s9 =	ssub.s32 s8, s5  }
0x9: {  	s4 =	simm.s32 @!p0 $0x0;
	p0 =	sgt.s32 s9, $0x0  }
0xa: {  	s6 =	rddreg [dreg:$0x0];
	s30 =	sshrl.u32 s4, $0x3;
	s9 =	simm.s32 @!p0 $0x0  }
0xb: {  	s0 =	rddreg [dreg:$0x2];
	s10 =	sadd.s32 s30, s6;
	s9 =	sshrl.u32 s9, $0x4  }
0xc: {  	_ =	strace $0x80000047;
	s7 =	sadd.s32 $0x62400, s10;
	s10 =	sadd.s32 $0x1, s9  }
0xd: {  	s12 =	simm.s32 $0x0;
	s11 =	simm.s32 $0x1;
	p3 =	sne.s32 s10, $0x1  }
.Ltmp0:
0xe: {  	p2 =	por $0x0, $0x0;
	s3 =	sadd.s32 $0xC4E00, s6;
	(pc) =	sbr.rel @!p3 .LBB2_1-.Ltmp0, $4  }
0xf: {  	s2 =	simm.s32 $0x1;
	s31 =	sshll.u32 s4, $0x7;
	s4 =	simm.s32 $0x2  }
0x10: {  	[sflag:s2] =	ssyncpa.u1 $0x0;
	(ifvalue) =	ssetifvalue $0xC08400;
	s6 =	sadd.s32 s31, s6  }
0x11: {  	[sflag:s4] =	ssyncpa.u1 $0x0;
	s6 =	sadd.s32 $0x62E00, s6;
	p1 =	sle.u32 s9, $0x0  }
0x12: {  	p0 =	por $0x1, $0x1;
	s16 =	sxor.u32 @!p1 $0xFFFFFFFF, s12;
	s13 =	simm.s32 @!p1 $0x0  }
0x13: {  	s14 =	sand.u32 @!p1 $0x1, s16  }
0x14: {  	s15 =	sshrl.u32 @!p1 s5, $0x3;
	s17 =	sshll.u32 @!p1 s5, $0x7;
	s18 =	sand.u32 @!p1 $0x7, s5  }
0x15: {  	s16 =	sshll.u32 @!p1 s14, $0x4;
	s14 =	sshll.u32 @!p1 s14, $0xD;
	s15 =	sadd.s32 @!p1 s15, s7  }
0x16: {  	[tilespmem:s16], [sflag:$0x2] =	stream.linear.gather @!p1 [hbm4b:s15+s18], $0x10, $0x38;
	[tilespmem:$0x4030] =	vst v63  }
0x17: {  	s15 =	sadd.s32 @!p1 s17, s6;
	s14 =	sor.u32 @!p1 $0x20, s14;
	s16 =	simm.s32 @!p0 $0x2  }
0x18: {  	[tilespmem:s14], [sflag:$0x2] =	stream.linear.gather @!p1 [hbm4b:s15+s13], $0x2000, $0x38;
	[tilespmem:$0x4030] =	vst v63  }
0x19: {  	_ =	swait.ge @!p0 [sflag:s16], $0x2010  }
0x1a: {  	p3 =	por p0, p0;
	s13 =	sand.u32 @!p0 $0x1, s12;
	[sflag:s16] =	ssyncset.done @!p0 $0x0  }
0x1b: {  	s12 =	sshll.u32 @!p3 s13, $0x4;
	[sflag:s16] =	ssyncadd.s32 @!p3 $0xFFFFDFF0  }
0x1c: {  	v0 =	vld.msk @!p3 [tilespmem:s12+$0x0 ss:$0x1], $0xffff;
	_ =	sdelay $0x3  }
0x1d: {  	p4 =	sne.s32 s10, $0x2  }
0x1e: {  	p2 =	por $0x1, $0x1;
	s17 =	simm.s32 @!p3 $0x4020;
	s14 =	simm.s32 @!p3 $0x1;
	v0 =	vshll.u32 @!p3 v0, $0xA  }
.Ltmp1:
0x1f: {  	s15 =	sadd.s32 $0x10, s5;
	s13 =	sshll.u32 @!p0 s13, $0xD;
	v0 =	vmin.u32 @!p3 v0, $0xC08400;
	(pc) =	sbr.rel @!p4 .LBB2_3-.Ltmp1, $4  }
0x20: {  	p1 =	sle.u32 s9, $0x1;
	p5 =	slt.s32 s15, s8;
	s13 =	sor.u32 @!p0 $0x20, s13;
	v0 =	vshrl.u32 @!p3 v0, $0x9  }
0x21: {  	p0 =	por $0x0, $0x0;
	s16 =	simm.s32 @!p3 $0x10;
	[tilespmem:$0x4020] =	vst @!p3 v0;
	(ifvalue) =	ssetifvalue @!p3 $0xC08400  }
0x22: {  	[hbm:s3] =	stream.indirect.scatter @!p3 [tilespmem:s13], [sflag:$0x1], $0x200, s17, s16, $0x40b8;
	[tilespmem:$0x4030] =	vst v63  }
0x23: {  	s12 =	simm.s32 $0x2;
	s16 =	sxor.u32 @!p1 $0xFFFFFFFF, s11;
	s13 =	simm.s32 @!p1 $0x0  }
.LBB2_4:
0x24: {  	s16 =	sand.u32 @!p1 $0x1, s16;
	s17 =	smov.u32 s5  }
0x25: {  	_ =	swait.ge @!p3 [sflag:s14], $0x2000;
	s17 =	smov.u32 @p5 s15;
	s15 =	smov.u32 s12  }
0x26: {  	s19 =	sshll.u32 @!p1 s16, $0x4;
	s18 =	sshrl.u32 @!p1 s17, $0x3;
	[sflag:s14] =	ssyncset.done @!p3 $0x0  }
0x27: {  	s16 =	sshll.u32 @!p1 s16, $0xD;
	s20 =	sshll.u32 @!p1 s17, $0x7;
	[sflag:s14] =	ssyncadd.s32 @!p3 $0xFFFFE000  }
0x28: {  	s21 =	sand.u32 @!p1 $0x7, s17;
	s18 =	sadd.s32 @!p1 s18, s7;
	[sflag:s14] =	ssyncpa.u1 @!p3 $0x1  }
0x29: {  	s16 =	sor.u32 @!p1 $0x20, s16;
	s14 =	sadd.s32 @!p1 s20, s6;
	s20 =	sand.u32 @!p0 $0x1, s11  }
0x2a: {  	[tilespmem:s19], [sflag:$0x2] =	stream.linear.gather @!p1 [hbm4b:s18+s21], $0x10, $0x38;
	[tilespmem:$0x4030] =	vst v63  }
0x2b: {  	s12 =	sadd.s32 $0x1, s12;
	s11 =	sshll.u32 @!p0 s20, $0xD;
	s18 =	simm.s32 @!p0 $0x2  }
0x2c: {  	[tilespmem:s16], [sflag:$0x2] =	stream.linear.gather @!p1 [hbm4b:s14+s13], $0x2000, $0x38;
	[tilespmem:$0x4030] =	vst v63  }
0x2d: {  	p4 =	sne.s32 s10, s12;
	s19 =	sor.u32 @!p0 $0x20, s11;
	_ =	swait.ge @!p0 [sflag:s18], $0x2010  }
0x2e: {  	p3 =	por p0, p0;
	s11 =	smov.u32 s15;
	[sflag:s18] =	ssyncset.done @!p0 $0x0  }
0x2f: {  	s13 =	sshll.u32 @!p3 s20, $0x4;
	[sflag:s18] =	ssyncadd.s32 @!p3 $0xFFFFDFF0  }
0x30: {  	v0 =	vld.msk @!p3 [tilespmem:s13+$0x0 ss:$0x1], $0xffff;
	_ =	sdelay $0x5  }
0x31: {  	v0 =	vshll.u32 @!p3 v0, $0xA  }
.Ltmp2:
0x32: {  	s20 =	simm.s32 @!p3 $0x4020;
	s18 =	simm.s32 @!p3 $0x10;
	v0 =	vmin.u32 @!p3 v0, $0xC08400;
	(pc) =	sbr.rel @p4 .LBB2_4-.Ltmp2, $4  }
0x33: {  	s15 =	sadd.s32 $0x10, s17;
	s14 =	simm.s32 @!p3 $0x1;
	v0 =	vshrl.u32 @!p3 v0, $0x9  }
0x34: {  	p5 =	slt.s32 s15, s8;
	p1 =	sge.u32 s11, s9;
	p0 =	seq.s32 s11, $0x0;
	[tilespmem:$0x4020] =	vst @!p3 v0  }
0x35: {  	s16 =	sxor.u32 @!p1 $0xFFFFFFFF, s11;
	s13 =	simm.s32 @!p1 $0x0;
	(ifvalue) =	ssetifvalue @!p3 $0xC08400  }
0x36: {  	[hbm:s3] =	stream.indirect.scatter @!p3 [tilespmem:s19], [sflag:$0x1], $0x200, s20, s18, $0x40b8;
	[tilespmem:$0x4030] =	vst v63  }
0x37: {  	s12 =	smov.u32 s11  }
.LBB2_6:
0x38: {  	p4 =	por !p5, !p2;
	p3 =	por p3, !p2;
	s8 =	sand.u32 @!p1 $0x1, s16  }
0x39: {  	s15 =	smov.u32 @p4 s5;
	_ =	swait.ge @!p3 [sflag:s14], $0x2000;
	s10 =	sshll.u32 @!p1 s8, $0x4  }
0x3a: {  	s8 =	sshll.u32 @!p1 s8, $0xD;
	s5 =	smov.u32 @p2 s15;
	[sflag:s14] =	ssyncset.done @!p3 $0x0  }
0x3b: {  	s9 =	sshrl.u32 @!p1 s5, $0x3;
	s11 =	sshll.u32 @!p1 s5, $0x7;
	[sflag:s14] =	ssyncadd.s32 @!p3 $0xFFFFE000  }
0x3c: {  	s5 =	sand.u32 @!p1 $0x7, s5;
	s7 =	sadd.s32 @!p1 s9, s7;
	[sflag:s14] =	ssyncpa.u1 @!p3 $0x1  }
0x3d: {  	[tilespmem:s10], [sflag:$0x2] =	stream.linear.gather @!p1 [hbm4b:s7+s5], $0x10, $0x38;
	[tilespmem:$0x4030] =	vst v63  }
0x3e: {  	s5 =	sadd.s32 @!p1 s11, s6;
	s6 =	sor.u32 @!p1 $0x20, s8;
	s7 =	simm.s32 @!p0 $0x2  }
0x3f: {  	[tilespmem:s6], [sflag:$0x2] =	stream.linear.gather @!p1 [hbm4b:s5+s13], $0x2000, $0x38;
	[tilespmem:$0x4030] =	vst v63  }
0x40: {  	_ =	swait.ge @!p0 [sflag:s7], $0x2010  }
0x41: {  	s5 =	sand.u32 @!p0 $0x1, s12;
	p1 =	por p0, p0;
	[sflag:s7] =	ssyncset.done @!p0 $0x0  }
0x42: {  	s6 =	sshll.u32 @!p1 s5, $0x4;
	[sflag:s7] =	ssyncadd.s32 @!p1 $0xFFFFDFF0  }
0x43: {  	v0 =	vld.msk @!p1 [tilespmem:s6+$0x0 ss:$0x1], $0xffff;
	_ =	sdelay $0x4  }
0x44: {  	v0 =	vshll.u32 @!p1 v0, $0xA  }
0x45: {  	s5 =	sshll.u32 @!p0 s5, $0xD;
	v0 =	vmin.u32 @!p1 v0, $0xC08400  }
0x46: {  	s8 =	simm.s32 @!p1 $0x1;
	s5 =	sor.u32 @!p0 $0x20, s5;
	v0 =	vshrl.u32 @!p1 v0, $0x9  }
0x47: {  	s7 =	simm.s32 @!p1 $0x4020;
	s6 =	simm.s32 @!p1 $0x10;
	[tilespmem:$0x4020] =	vst @!p1 v0;
	(ifvalue) =	ssetifvalue @!p1 $0xC08400  }
0x48: {  	[hbm:s3] =	stream.indirect.scatter @!p1 [tilespmem:s5], [sflag:$0x1], $0x200, s7, s6, $0x40b8;
	[tilespmem:$0x4030] =	vst v63  }
0x49: {  	_ =	swait.ge @!p1 [sflag:s8], $0x2000  }
0x4a: {  	[sflag:s8] =	ssyncset.done @!p1 $0x0  }
0x4b: {  	[sflag:s8] =	ssyncadd.s32 @!p1 $0xFFFFE000  }
0x4c: {  	[sflag:s8] =	ssyncpa.u1 @!p1 $0x1  }
0x4d: {  	_ =	sfence.sel $0x180000  }
0x4e: {  	[bflag:$0x0] =	sbarrier.arrive $0xFFFF  }
0x4f: {  	[sflag:s4] =	ssyncpa.u1 $0x1  }
0x50: {  	[sflag:s2] =	ssyncpa.u1 $0x1  }
0x51: {  	p0 =	sne.s32 s1, $0x0;
	_ =	strace $0x90000047  }
0x52: {  	s0 =	sadd.s32 @!p0 $0x100000, s0;
	[bflag:$0x2] =	sbarrier.arrive $0xFFFF  }
0x53: {  	[sflag:s0] =	ssyncadd.tile.s32 @!p0 $0x1;
	_ =	shalt  }
.LBB2_1:
.Ltmp3:
0x54: {  	(pc) =	sbr.rel .LBB2_6-.Ltmp3, $2  }
0x55: {  	_ =	sdelay $0x2  }
0x56: {  	_ = 	snop  }
.LBB2_3:
.Ltmp4:
0x57: {  	(pc) =	sbr.rel .LBB2_6-.Ltmp4, $2  }
0x58: {  	_ =	sdelay $0x2  }
0x59: {  	s12 =	simm.s32 $0x1  }
.Lfunc_end2:
_tile_overlayer_lowered:
.L_overlay_start_2:
0x5a: {  	(tag) =	ssettag $0x2  }
0x5b: {  	s0 =	rddreg [dreg:$0x0];
	s2 =	stileid.u32  }
0x5c: {  	s1 =	rddreg [dreg:$0x1];
	p0 =	sne.s32 s2, $0x0  }
0x5d: {  	s3 =	rddreg [dreg:$0x2];
	[bflag:$0x3] =	sbarrier.arrive $0xFFFF;
	s2 =	simm.s32 @!p0 $0x1C01  }
0x5e: {  	[timem:s3], [sflag:s2] =	dma.local @!p0 [hbm:s0], s1  }
0x5f: {  	s0 =	simm.s32 @!p0 $0x1  }
0x60: {  	_ =	swait.ge @!p0 [sflag:s0], s1  }
0x61: {  	s1 =	ssub.s32 @!p0 $0x0, s1;
	[sflag:s0] =	ssyncset.done @!p0 $0x0  }
0x62: {  	[sflag:s0] =	ssyncadd.s32 @!p0 s1  }
0x63: {  	[bflag:$0x3] =	sbarrier.arrive $0xFFFF  }
0x64: {  	_ =	shalt  }

</sc_bundles>
